<compile_context>
chip_gen: v7x
topology: tpu7x:2x2x1
jax: 0.10.2.dev20260603
libtpu: 0.0.44.dev20260713+nightly
codegen_flags: <defaults>
</compile_context>

<pallas_src>
import functools

import jax
import jax.numpy as jnp
from jax import lax
from jax.experimental import pallas as pl
from jax.experimental.pallas import tpu as pltpu
from jax.experimental.pallas import tpu_sc as plsc

R_SMALL = 16
NUM_ADAPTERS = 80
D_OUT = 4096
N_OUT_ROWS = 128
K_DIM = NUM_ADAPTERS * R_SMALL

_sc_mesh = plsc.VectorSubcoreMesh(core_axis_name="c", subcore_axis_name="s")


@functools.partial(
    pl.kernel,
    mesh=_sc_mesh,
    out_type=jax.ShapeDtypeStruct((N_OUT_ROWS, K_DIM), jnp.float32),
    scratch_types=[
        pltpu.VMEM((16, 1, R_SMALL), jnp.float32),
        pltpu.VMEM((16,), jnp.int32),
        pltpu.VMEM((8, K_DIM), jnp.float32),
    ],
    compiler_params=pltpu.CompilerParams(
        needs_layout_passes=False,
        disable_bounds_checks=True,
        skip_device_barrier=True,
    ),
)
def _sc_scatter(y_hbm, wids_hbm, s_hbm, yv, wv, acc):
    w = lax.axis_index("s") * 2 + lax.axis_index("c")
    is_large = w < 16
    is_small = jnp.logical_and(w >= 16, w < 24)
    ws = jnp.minimum(w - 16, 7)
    ibase = jnp.where(is_large, 16 * w, 256 + 8 * ws)
    nitems = jnp.where(is_large, 16, jnp.where(w < 24, 8, 0))
    nrows = jnp.where(is_large, 4, jnp.where(w < 24, 8, 0))

    @pl.when(is_large)
    def _():
        pltpu.sync_copy(y_hbm.at[pl.ds(ibase, 16)], yv)
        pltpu.sync_copy(wids_hbm.at[pl.ds(ibase, 16)], wv)

    @pl.when(is_small)
    def _():
        pltpu.sync_copy(y_hbm.at[pl.ds(ibase, 8)], yv.at[pl.ds(0, 8)])
        pltpu.sync_copy(wids_hbm.at[pl.ds(ibase, 8)], wv.at[pl.ds(0, 8)])

    zeros16 = jnp.zeros((R_SMALL,), jnp.float32)

    def _zero_body(i, carry):
        r = i // (K_DIM // (4 * R_SMALL))
        cchunk = i % (K_DIM // (4 * R_SMALL))
        for u in range(4):
            acc[r, pl.ds((4 * cchunk + u) * R_SMALL, R_SMALL)] = zeros16
        return carry

    lax.fori_loop(0, nrows * (K_DIM // (4 * R_SMALL)), _zero_body, 0)

    lane_iota = lax.iota(jnp.int32, 16)
    wvec = wv[...]

    def _item_body(j, carry):
        wid_b = wvec.at[jnp.full((16,), j, jnp.int32)].get(
            mode="promise_in_bounds")
        yj = yv[j, 0, :]
        r = jnp.where(is_large, j // 4, j)
        rvec = lax.broadcast(r, (16,))
        col = wid_b * R_SMALL + lane_iota
        plsc.addupdate_scatter(acc, [rvec, col], yj)
        return carry

    lax.fori_loop(0, nitems, _item_body, 0)

    @pl.when(is_large)
    def _():
        pltpu.sync_copy(acc.at[pl.ds(0, 4)], s_hbm.at[pl.ds(4 * w, 4)])

    @pl.when(is_small)
    def _():
        pltpu.sync_copy(acc.at[pl.ds(0, 8)], s_hbm.at[pl.ds(64 + 8 * ws, 8)])


def _mm_body(s_ref, b_ref, o_ref):
    acc = jnp.dot(
        s_ref[...],
        b_ref[...],
        preferred_element_type=jnp.float32,
    )
    o_ref[...] = acc * 2.0


_N_BLK = 2048


def _tc_matmul(s, b_flat):
    return pl.pallas_call(
        _mm_body,
        grid=(D_OUT // _N_BLK,),
        in_specs=[
            pl.BlockSpec((N_OUT_ROWS, K_DIM), lambda i: (0, 0)),
            pl.BlockSpec((K_DIM, _N_BLK), lambda i: (0, i)),
        ],
        out_specs=pl.BlockSpec((N_OUT_ROWS, _N_BLK), lambda i: (0, i)),
        out_shape=jax.ShapeDtypeStruct((N_OUT_ROWS, D_OUT), jnp.float32),
        compiler_params=pltpu.CompilerParams(
            allow_input_fusion=[True, True],
        ),
    )(s, b_flat)


@jax.jit
def kernel(y, wids, lora_B):
    b_bf = lora_B.reshape(K_DIM, D_OUT).astype(jnp.bfloat16)
    y32 = y.astype(jnp.float32)
    s = _sc_scatter(y32, wids)
    out = _tc_matmul(s.astype(jnp.bfloat16), b_bf)
    return out.astype(jnp.float16).reshape(N_OUT_ROWS, 1, D_OUT)

# --- scband reference (transcript-rebuilt; emitter-appended) ---
"""Pipeline reference for scband-splitted-lora-b-59459527246477 (READ-ONLY COPY).

The authoritative reference and input builder live on the scoring server;
editing this copy changes nothing except your own understanding.
"""

import jax, jax.numpy as jnp
import numpy as np

# --- module config (from init_kwargs) ---
BATCH_LARGE = 64
BATCH_SMALL = 64
R_LARGE = 64
R_SMALL = 16
NUM_ADAPTERS_LARGE = 16
NUM_ADAPTERS_SMALL = 16
R_MULT = R_LARGE // R_SMALL  # 4
SPLIT_LENGTHS = [R_MULT] * BATCH_LARGE + [BATCH_SMALL]
SUM_SPLIT = [True] * BATCH_LARGE + [False]
SPLIT_IDX = np.cumsum(SPLIT_LENGTHS)[:-1].tolist()
LORA_BATCH = int(sum(SPLIT_LENGTHS))  # 320
NUM_SPLITTED_ADAPTERS = NUM_ADAPTERS_LARGE * R_MULT + NUM_ADAPTERS_SMALL  # 80
D_OUT = 4096


def setup_inputs(seed: int = 0) -> dict:
    key = jax.random.key(seed)
    k1, k2, k3 = jax.random.split(key, 3)
    y = jax.random.normal(k1, (LORA_BATCH, 1, R_SMALL), dtype=jnp.float16)
    wids = jax.random.randint(k2, (LORA_BATCH,), 0, NUM_SPLITTED_ADAPTERS, dtype=jnp.int32)
    lora_B = (jax.random.normal(k3, (NUM_SPLITTED_ADAPTERS, R_SMALL, D_OUT), dtype=jnp.float16) * jnp.float16(0.02))
    return {"y": y, "wids": wids, "lora_B": lora_B}


def reference(y, wids, lora_B):
    # z = matmul(y, take(lora_B, wids, axis=0)) * 2.0
    gathered = jnp.take(lora_B, wids, axis=0)           # [LB, r_small, 4096]
    z = jnp.matmul(y, gathered) * jnp.float16(2.0)       # [LB, 1, 4096]
    z_splitted = jnp.split(z, SPLIT_IDX, axis=0)
    r_lst = []
    for i, z_i in enumerate(z_splitted):
        if SUM_SPLIT[i]:
            r_lst.append(jnp.sum(z_i, axis=0, keepdims=True))
        else:
            r_lst.append(z_i)
    r = jnp.concatenate(r_lst, axis=0)                    # [BATCH_LARGE + BATCH_SMALL, 1, 4096]
    return r

if __name__ == "__main__":
    import jax
    _d = setup_inputs()
    print(jax.jit(kernel)(*tuple(_d.values())))

</pallas_src>

<mosaic_0001>
#map = affine_map<(d0, d1) -> (0, 0, 0)>
#map1 = affine_map<(d0, d1) -> (0)>
#map2 = affine_map<(d0, d1) -> (0, 0)>
module attributes {stable_mosaic.version = 14 : i64} {
  func.func @_sc_scatter(%arg0: i32, %arg1: i32, %arg2: memref<320x1x16xf32, #tpu.memory_space<hbm>>, %arg3: memref<320xi32, #tpu.memory_space<hbm>>, %arg4: memref<128x1280xf32, #tpu.memory_space<hbm>>, %arg5: memref<16x1x16xf32, #tpu.memory_space<vmem>>, %arg6: memref<16xi32, #tpu.memory_space<vmem>>, %arg7: memref<8x1280xf32, #tpu.memory_space<vmem>>) attributes {dimension_semantics = [#tpu.dimension_semantics<core_parallel>, #tpu.dimension_semantics<subcore_parallel>], iteration_bounds = array<i64: 2, 16>, scalar_prefetch = 0 : i64, scratch_operands = 3 : i64, tpu.core_type = #tpu.core_type<sc_vector_subcore>, window_params = [{transform_indices = #map}, {transform_indices = #map1}, {transform_indices = #map2}]} {
    %mul3A = arith.constant 2 : i32
    %mul3A_0 = arith.muli %arg1, %mul3A : i32
    %add3A = arith.addi %mul3A_0, %arg0 : i32
    %lt3A = arith.constant 16 : i32
    %lt3A_1 = arith.cmpi slt, %add3A, %lt3A : i32
    %ge3A = arith.constant 16 : i32
    %ge3A_2 = arith.cmpi sge, %add3A, %ge3A : i32
    %lt3A_3 = arith.constant 24 : i32
    %lt3A_4 = arith.cmpi slt, %add3A, %lt3A_3 : i32
    %and3A = arith.andi %ge3A_2, %lt3A_4 : i1
    %sub3A = arith.constant 16 : i32
    %sub3A_5 = arith.subi %add3A, %sub3A : i32
    %min3A = arith.constant 7 : i32
    %min3A_6 = arith.minsi %sub3A_5, %min3A : i32
    %mul3A_7 = arith.constant 16 : i32
    %mul3A_8 = arith.muli %mul3A_7, %add3A : i32
    %mul3A_9 = arith.constant 8 : i32
    %mul3A_10 = arith.muli %mul3A_9, %min3A_6 : i32
    %add3A_11 = arith.constant 256 : i32
    %add3A_12 = arith.addi %add3A_11, %mul3A_10 : i32
    %select_n3A = arith.select %lt3A_1, %mul3A_8, %add3A_12 : i32
    %lt3A_13 = arith.constant 24 : i32
    %lt3A_14 = arith.cmpi slt, %add3A, %lt3A_13 : i32
    %jit3A = arith.constant 8 : i32
    %jit3A_15 = arith.constant 0 : i32
    %select_n3A_16 = arith.select %lt3A_14, %jit3A, %jit3A_15 : i32
    %jit3A_17 = arith.constant 16 : i32
    %select_n3A_18 = arith.select %lt3A_1, %jit3A_17, %select_n3A_16 : i32
    %lt3A_19 = arith.constant 24 : i32
    %lt3A_20 = arith.cmpi slt, %add3A, %lt3A_19 : i32
    %jit3A_21 = arith.constant 8 : i32
    %jit3A_22 = arith.constant 0 : i32
    %select_n3A_23 = arith.select %lt3A_20, %jit3A_21, %jit3A_22 : i32
    %jit3A_24 = arith.constant 4 : i32
    %select_n3A_25 = arith.select %lt3A_1, %jit3A_24, %select_n3A_23 : i32
    %convert_element_type3A = arith.extui %lt3A_1 : i1 to i32
    %cond3A = arith.constant 0 : i32
    %cond3A_26 = arith.cmpi ne, %convert_element_type3A, %cond3A : i32
    scf.if %cond3A_26 {
      "tpu.region"() ({
        %run_scoped3A = tpu.sem_alloc : memref<!tpu.dma_semaphore, #tpu.memory_space<semaphore_mem>>
        %dma_start3A = arith.constant 0 : i32
        %dma_start3A_59 = arith.constant 0 : i32
        %dma_start3A_60 = tpu.memref_slice %arg2[%select_n3A, %dma_start3A, %dma_start3A_59] : memref<320x1x16xf32, #tpu.memory_space<hbm>> -> memref<16x1x16xf32, #tpu.memory_space<hbm>>
        %dma_start3A_61 = arith.constant 0 : i32
        %dma_start3A_62 = arith.constant 0 : i32
        %dma_start3A_63 = tpu.memref_slice %arg2[%select_n3A, %dma_start3A_61, %dma_start3A_62] : memref<320x1x16xf32, #tpu.memory_space<hbm>> -> memref<16x1x16xf32, #tpu.memory_space<hbm>>
        tpu.enqueue_dma source(%dma_start3A_63 : memref<16x1x16xf32, #tpu.memory_space<hbm>>) target(%arg5 : memref<16x1x16xf32, #tpu.memory_space<vmem>>) target_semaphore(%run_scoped3A : memref<!tpu.dma_semaphore, #tpu.memory_space<semaphore_mem>>)
        %dma_wait3A = arith.constant 0 : i32
        %dma_wait3A_64 = arith.constant 0 : i32
        %dma_wait3A_65 = tpu.memref_slice %arg2[%select_n3A, %dma_wait3A, %dma_wait3A_64] : memref<320x1x16xf32, #tpu.memory_space<hbm>> -> memref<16x1x16xf32, #tpu.memory_space<hbm>>
        %dma_wait3A_66 = arith.constant 0 : i32
        %dma_wait3A_67 = arith.constant 0 : i32
        %dma_wait3A_68 = tpu.memref_slice %arg2[%select_n3A, %dma_wait3A_66, %dma_wait3A_67] : memref<320x1x16xf32, #tpu.memory_space<hbm>> -> memref<16x1x16xf32, #tpu.memory_space<hbm>>
        tpu.wait_dma2 semaphore(%run_scoped3A : memref<!tpu.dma_semaphore, #tpu.memory_space<semaphore_mem>>) src(%dma_wait3A_68 : memref<16x1x16xf32, #tpu.memory_space<hbm>>) dst(%arg5 : memref<16x1x16xf32, #tpu.memory_space<vmem>>)
        tpu.yield
      }) : () -> ()
      "tpu.region"() ({
        %run_scoped3A = tpu.sem_alloc : memref<!tpu.dma_semaphore, #tpu.memory_space<semaphore_mem>>
        %dma_start3A = tpu.memref_slice %arg3[%select_n3A] : memref<320xi32, #tpu.memory_space<hbm>> -> memref<16xi32, #tpu.memory_space<hbm>>
        %dma_start3A_59 = tpu.memref_slice %arg3[%select_n3A] : memref<320xi32, #tpu.memory_space<hbm>> -> memref<16xi32, #tpu.memory_space<hbm>>
        tpu.enqueue_dma source(%dma_start3A_59 : memref<16xi32, #tpu.memory_space<hbm>>) target(%arg6 : memref<16xi32, #tpu.memory_space<vmem>>) target_semaphore(%run_scoped3A : memref<!tpu.dma_semaphore, #tpu.memory_space<semaphore_mem>>)
        %dma_wait3A = tpu.memref_slice %arg3[%select_n3A] : memref<320xi32, #tpu.memory_space<hbm>> -> memref<16xi32, #tpu.memory_space<hbm>>
        %dma_wait3A_60 = tpu.memref_slice %arg3[%select_n3A] : memref<320xi32, #tpu.memory_space<hbm>> -> memref<16xi32, #tpu.memory_space<hbm>>
        tpu.wait_dma2 semaphore(%run_scoped3A : memref<!tpu.dma_semaphore, #tpu.memory_space<semaphore_mem>>) src(%dma_wait3A_60 : memref<16xi32, #tpu.memory_space<hbm>>) dst(%arg6 : memref<16xi32, #tpu.memory_space<vmem>>)
        tpu.yield
      }) : () -> ()
    } else {
    }
    %convert_element_type3A_27 = arith.extui %and3A : i1 to i32
    %cond3A_28 = arith.constant 0 : i32
    %cond3A_29 = arith.cmpi ne, %convert_element_type3A_27, %cond3A_28 : i32
    scf.if %cond3A_29 {
      "tpu.region"() ({
        %run_scoped3A = tpu.sem_alloc : memref<!tpu.dma_semaphore, #tpu.memory_space<semaphore_mem>>
        %dma_start3A = arith.constant 0 : i32
        %dma_start3A_59 = arith.constant 0 : i32
        %dma_start3A_60 = arith.constant 0 : i32
        %dma_start3A_61 = tpu.memref_slice %arg5[%dma_start3A, %dma_start3A_59, %dma_start3A_60] : memref<16x1x16xf32, #tpu.memory_space<vmem>> -> memref<8x1x16xf32, #tpu.memory_space<vmem>>
        %dma_start3A_62 = arith.constant 0 : i32
        %dma_start3A_63 = arith.constant 0 : i32
        %dma_start3A_64 = tpu.memref_slice %arg2[%select_n3A, %dma_start3A_62, %dma_start3A_63] : memref<320x1x16xf32, #tpu.memory_space<hbm>> -> memref<8x1x16xf32, #tpu.memory_space<hbm>>
        %dma_start3A_65 = arith.constant 0 : i32
        %dma_start3A_66 = arith.constant 0 : i32
        %dma_start3A_67 = arith.constant 0 : i32
        %dma_start3A_68 = tpu.memref_slice %arg5[%dma_start3A_65, %dma_start3A_66, %dma_start3A_67] : memref<16x1x16xf32, #tpu.memory_space<vmem>> -> memref<8x1x16xf32, #tpu.memory_space<vmem>>
        %dma_start3A_69 = arith.constant 0 : i32
        %dma_start3A_70 = arith.constant 0 : i32
        %dma_start3A_71 = tpu.memref_slice %arg2[%select_n3A, %dma_start3A_69, %dma_start3A_70] : memref<320x1x16xf32, #tpu.memory_space<hbm>> -> memref<8x1x16xf32, #tpu.memory_space<hbm>>
        tpu.enqueue_dma source(%dma_start3A_71 : memref<8x1x16xf32, #tpu.memory_space<hbm>>) target(%dma_start3A_68 : memref<8x1x16xf32, #tpu.memory_space<vmem>>) target_semaphore(%run_scoped3A : memref<!tpu.dma_semaphore, #tpu.memory_space<semaphore_mem>>)
        %dma_wait3A = arith.constant 0 : i32
        %dma_wait3A_72 = arith.constant 0 : i32
        %dma_wait3A_73 = arith.constant 0 : i32
        %dma_wait3A_74 = tpu.memref_slice %arg5[%dma_wait3A, %dma_wait3A_72, %dma_wait3A_73] : memref<16x1x16xf32, #tpu.memory_space<vmem>> -> memref<8x1x16xf32, #tpu.memory_space<vmem>>
        %dma_wait3A_75 = arith.constant 0 : i32
        %dma_wait3A_76 = arith.constant 0 : i32
        %dma_wait3A_77 = tpu.memref_slice %arg2[%select_n3A, %dma_wait3A_75, %dma_wait3A_76] : memref<320x1x16xf32, #tpu.memory_space<hbm>> -> memref<8x1x16xf32, #tpu.memory_space<hbm>>
        %dma_wait3A_78 = arith.constant 0 : i32
        %dma_wait3A_79 = arith.constant 0 : i32
        %dma_wait3A_80 = arith.constant 0 : i32
        %dma_wait3A_81 = tpu.memref_slice %arg5[%dma_wait3A_78, %dma_wait3A_79, %dma_wait3A_80] : memref<16x1x16xf32, #tpu.memory_space<vmem>> -> memref<8x1x16xf32, #tpu.memory_space<vmem>>
        %dma_wait3A_82 = arith.constant 0 : i32
        %dma_wait3A_83 = arith.constant 0 : i32
        %dma_wait3A_84 = tpu.memref_slice %arg2[%select_n3A, %dma_wait3A_82, %dma_wait3A_83] : memref<320x1x16xf32, #tpu.memory_space<hbm>> -> memref<8x1x16xf32, #tpu.memory_space<hbm>>
        tpu.wait_dma2 semaphore(%run_scoped3A : memref<!tpu.dma_semaphore, #tpu.memory_space<semaphore_mem>>) src(%dma_wait3A_84 : memref<8x1x16xf32, #tpu.memory_space<hbm>>) dst(%dma_wait3A_81 : memref<8x1x16xf32, #tpu.memory_space<vmem>>)
        tpu.yield
      }) : () -> ()
      "tpu.region"() ({
        %run_scoped3A = tpu.sem_alloc : memref<!tpu.dma_semaphore, #tpu.memory_space<semaphore_mem>>
        %dma_start3A = arith.constant 0 : i32
        %dma_start3A_59 = tpu.memref_slice %arg6[%dma_start3A] : memref<16xi32, #tpu.memory_space<vmem>> -> memref<8xi32, #tpu.memory_space<vmem>>
        %dma_start3A_60 = tpu.memref_slice %arg3[%select_n3A] : memref<320xi32, #tpu.memory_space<hbm>> -> memref<8xi32, #tpu.memory_space<hbm>>
        %dma_start3A_61 = arith.constant 0 : i32
        %dma_start3A_62 = tpu.memref_slice %arg6[%dma_start3A_61] : memref<16xi32, #tpu.memory_space<vmem>> -> memref<8xi32, #tpu.memory_space<vmem>>
        %dma_start3A_63 = tpu.memref_slice %arg3[%select_n3A] : memref<320xi32, #tpu.memory_space<hbm>> -> memref<8xi32, #tpu.memory_space<hbm>>
        tpu.enqueue_dma source(%dma_start3A_63 : memref<8xi32, #tpu.memory_space<hbm>>) target(%dma_start3A_62 : memref<8xi32, #tpu.memory_space<vmem>>) target_semaphore(%run_scoped3A : memref<!tpu.dma_semaphore, #tpu.memory_space<semaphore_mem>>)
        %dma_wait3A = arith.constant 0 : i32
        %dma_wait3A_64 = tpu.memref_slice %arg6[%dma_wait3A] : memref<16xi32, #tpu.memory_space<vmem>> -> memref<8xi32, #tpu.memory_space<vmem>>
        %dma_wait3A_65 = tpu.memref_slice %arg3[%select_n3A] : memref<320xi32, #tpu.memory_space<hbm>> -> memref<8xi32, #tpu.memory_space<hbm>>
        %dma_wait3A_66 = arith.constant 0 : i32
        %dma_wait3A_67 = tpu.memref_slice %arg6[%dma_wait3A_66] : memref<16xi32, #tpu.memory_space<vmem>> -> memref<8xi32, #tpu.memory_space<vmem>>
        %dma_wait3A_68 = tpu.memref_slice %arg3[%select_n3A] : memref<320xi32, #tpu.memory_space<hbm>> -> memref<8xi32, #tpu.memory_space<hbm>>
        tpu.wait_dma2 semaphore(%run_scoped3A : memref<!tpu.dma_semaphore, #tpu.memory_space<semaphore_mem>>) src(%dma_wait3A_68 : memref<8xi32, #tpu.memory_space<hbm>>) dst(%dma_wait3A_67 : memref<8xi32, #tpu.memory_space<vmem>>)
        tpu.yield
      }) : () -> ()
    } else {
    }
    %broadcast_in_dim3A = arith.constant 0.000000e+00 : f32
    %broadcast_in_dim3A_30 = vector.broadcast %broadcast_in_dim3A : f32 to vector<16xf32>
    %mul3A_31 = arith.constant 20 : i32
    %mul3A_32 = arith.muli %select_n3A_25, %mul3A_31 : i32
    %while3A = arith.constant 0 : i32
    %while3A_33 = arith.constant 0 : i32
    %while3A_34 = arith.subi %mul3A_32, %while3A_33 : i32
    %while3A_35 = arith.addi %while3A_33, %while3A_34 : i32
    %while3A_36 = arith.constant 1 : i32
    %while3A_37 = arith.divsi %while3A_34, %while3A_36 : i32
    %while3A_38 = arith.muli %while3A_37, %while3A_36 : i32
    %while3A_39 = arith.addi %while3A_33, %while3A_38 : i32
    %while3A_40 = arith.constant 1 : i32
    scf.for %while3A_59 = %while3A_33 to %while3A_39 step %while3A_40  : i32 {
      %jit3A_60 = arith.constant 20 : i32
      %div3A = arith.divsi %while3A_59, %jit3A_60 : i32
      %sign3A = arith.constant 0 : i32
      %sign3A_61 = arith.cmpi sgt, %while3A_59, %sign3A : i32
      %sign3A_62 = arith.extui %sign3A_61 : i1 to i32
      %sign3A_63 = arith.constant 0 : i32
      %sign3A_64 = arith.cmpi slt, %while3A_59, %sign3A_63 : i32
      %sign3A_65 = arith.extui %sign3A_64 : i1 to i32
      %sign3A_66 = arith.subi %sign3A_62, %sign3A_65 : i32
      %sign3A_67 = arith.constant 0 : i32
      %sign3A_68 = arith.cmpi sgt, %jit3A_60, %sign3A_67 : i32
      %sign3A_69 = arith.extui %sign3A_68 : i1 to i32
      %sign3A_70 = arith.constant 0 : i32
      %sign3A_71 = arith.cmpi slt, %jit3A_60, %sign3A_70 : i32
      %sign3A_72 = arith.extui %sign3A_71 : i1 to i32
      %sign3A_73 = arith.subi %sign3A_69, %sign3A_72 : i32
      %ne3A = arith.cmpi ne, %sign3A_66, %sign3A_73 : i32
      %rem3A = arith.remsi %while3A_59, %jit3A_60 : i32
      %ne3A_74 = arith.constant 0 : i32
      %ne3A_75 = arith.cmpi ne, %rem3A, %ne3A_74 : i32
      %and3A_76 = arith.andi %ne3A, %ne3A_75 : i1
      %sub3A_77 = arith.constant 1 : i32
      %sub3A_78 = arith.subi %div3A, %sub3A_77 : i32
      %select_n3A_79 = arith.select %and3A_76, %sub3A_78, %div3A : i32
      %jit3A_80 = arith.constant 20 : i32
      %eq3A = arith.constant 0 : i32
      %eq3A_81 = arith.cmpi eq, %jit3A_80, %eq3A : i32
      %jit3A_82 = arith.constant 1 : i32
      %select_n3A_83 = arith.select %eq3A_81, %jit3A_82, %jit3A_80 : i32
      %rem3A_84 = arith.remsi %while3A_59, %select_n3A_83 : i32
      %ne3A_85 = arith.constant 0 : i32
      %ne3A_86 = arith.cmpi ne, %rem3A_84, %ne3A_85 : i32
      %lt3A_87 = arith.constant 0 : i32
      %lt3A_88 = arith.cmpi slt, %rem3A_84, %lt3A_87 : i32
      %lt3A_89 = arith.constant 0 : i32
      %lt3A_90 = arith.cmpi slt, %select_n3A_83, %lt3A_89 : i32
      %ne3A_91 = arith.xori %lt3A_88, %lt3A_90 : i1
      %and3A_92 = arith.andi %ne3A_91, %ne3A_86 : i1
      %add3A_93 = arith.addi %rem3A_84, %select_n3A_83 : i32
      %select_n3A_94 = arith.select %and3A_92, %add3A_93, %rem3A_84 : i32
      %mul3A_95 = arith.constant 4 : i32
      %mul3A_96 = arith.muli %mul3A_95, %select_n3A_94 : i32
      %add3A_97 = arith.constant 0 : i32
      %add3A_98 = arith.addi %mul3A_96, %add3A_97 : i32
      %mul3A_99 = arith.constant 16 : i32
      %mul3A_100 = arith.muli %add3A_98, %mul3A_99 : i32
      %swap3A = arith.index_cast %select_n3A_79 : i32 to index
      %swap3A_101 = arith.index_cast %mul3A_100 : i32 to index
      %swap3A_102 = tpu.vector_load %arg7[%swap3A, %swap3A_101] {strides = array<i32>} : memref<8x1280xf32, #tpu.memory_space<vmem>>, vector<16xf32>,
      tpu.vector_store %arg7[%swap3A, %swap3A_101], %broadcast_in_dim3A_30 {strides = array<i32>} : memref<8x1280xf32, #tpu.memory_space<vmem>>, vector<16xf32>,
      %mul3A_103 = arith.constant 4 : i32
      %mul3A_104 = arith.muli %mul3A_103, %select_n3A_94 : i32
      %add3A_105 = arith.constant 1 : i32
      %add3A_106 = arith.addi %mul3A_104, %add3A_105 : i32
      %mul3A_107 = arith.constant 16 : i32
      %mul3A_108 = arith.muli %add3A_106, %mul3A_107 : i32
      %swap3A_109 = arith.index_cast %select_n3A_79 : i32 to index
      %swap3A_110 = arith.index_cast %mul3A_108 : i32 to index
      %swap3A_111 = tpu.vector_load %arg7[%swap3A_109, %swap3A_110] {strides = array<i32>} : memref<8x1280xf32, #tpu.memory_space<vmem>>, vector<16xf32>,
      tpu.vector_store %arg7[%swap3A_109, %swap3A_110], %broadcast_in_dim3A_30 {strides = array<i32>} : memref<8x1280xf32, #tpu.memory_space<vmem>>, vector<16xf32>,
      %mul3A_112 = arith.constant 4 : i32
      %mul3A_113 = arith.muli %mul3A_112, %select_n3A_94 : i32
      %add3A_114 = arith.constant 2 : i32
      %add3A_115 = arith.addi %mul3A_113, %add3A_114 : i32
      %mul3A_116 = arith.constant 16 : i32
      %mul3A_117 = arith.muli %add3A_115, %mul3A_116 : i32
      %swap3A_118 = arith.index_cast %select_n3A_79 : i32 to index
      %swap3A_119 = arith.index_cast %mul3A_117 : i32 to index
      %swap3A_120 = tpu.vector_load %arg7[%swap3A_118, %swap3A_119] {strides = array<i32>} : memref<8x1280xf32, #tpu.memory_space<vmem>>, vector<16xf32>,
      tpu.vector_store %arg7[%swap3A_118, %swap3A_119], %broadcast_in_dim3A_30 {strides = array<i32>} : memref<8x1280xf32, #tpu.memory_space<vmem>>, vector<16xf32>,
      %mul3A_121 = arith.constant 4 : i32
      %mul3A_122 = arith.muli %mul3A_121, %select_n3A_94 : i32
      %add3A_123 = arith.constant 3 : i32
      %add3A_124 = arith.addi %mul3A_122, %add3A_123 : i32
      %mul3A_125 = arith.constant 16 : i32
      %mul3A_126 = arith.muli %add3A_124, %mul3A_125 : i32
      %swap3A_127 = arith.index_cast %select_n3A_79 : i32 to index
      %swap3A_128 = arith.index_cast %mul3A_126 : i32 to index
      %swap3A_129 = tpu.vector_load %arg7[%swap3A_127, %swap3A_128] {strides = array<i32>} : memref<8x1280xf32, #tpu.memory_space<vmem>>, vector<16xf32>,
      tpu.vector_store %arg7[%swap3A_127, %swap3A_128], %broadcast_in_dim3A_30 {strides = array<i32>} : memref<8x1280xf32, #tpu.memory_space<vmem>>, vector<16xf32>,
    }
    %while3A_41 = arith.constant 1 : i32
    scf.for %while3A_59 = %while3A_39 to %while3A_35 step %while3A_41  : i32 {
      %jit3A_60 = arith.constant 20 : i32
      %div3A = arith.divsi %while3A_59, %jit3A_60 : i32
      %sign3A = arith.constant 0 : i32
      %sign3A_61 = arith.cmpi sgt, %while3A_59, %sign3A : i32
      %sign3A_62 = arith.extui %sign3A_61 : i1 to i32
      %sign3A_63 = arith.constant 0 : i32
      %sign3A_64 = arith.cmpi slt, %while3A_59, %sign3A_63 : i32
      %sign3A_65 = arith.extui %sign3A_64 : i1 to i32
      %sign3A_66 = arith.subi %sign3A_62, %sign3A_65 : i32
      %sign3A_67 = arith.constant 0 : i32
      %sign3A_68 = arith.cmpi sgt, %jit3A_60, %sign3A_67 : i32
      %sign3A_69 = arith.extui %sign3A_68 : i1 to i32
      %sign3A_70 = arith.constant 0 : i32
      %sign3A_71 = arith.cmpi slt, %jit3A_60, %sign3A_70 : i32
      %sign3A_72 = arith.extui %sign3A_71 : i1 to i32
      %sign3A_73 = arith.subi %sign3A_69, %sign3A_72 : i32
      %ne3A = arith.cmpi ne, %sign3A_66, %sign3A_73 : i32
      %rem3A = arith.remsi %while3A_59, %jit3A_60 : i32
      %ne3A_74 = arith.constant 0 : i32
      %ne3A_75 = arith.cmpi ne, %rem3A, %ne3A_74 : i32
      %and3A_76 = arith.andi %ne3A, %ne3A_75 : i1
      %sub3A_77 = arith.constant 1 : i32
      %sub3A_78 = arith.subi %div3A, %sub3A_77 : i32
      %select_n3A_79 = arith.select %and3A_76, %sub3A_78, %div3A : i32
      %jit3A_80 = arith.constant 20 : i32
      %eq3A = arith.constant 0 : i32
      %eq3A_81 = arith.cmpi eq, %jit3A_80, %eq3A : i32
      %jit3A_82 = arith.constant 1 : i32
      %select_n3A_83 = arith.select %eq3A_81, %jit3A_82, %jit3A_80 : i32
      %rem3A_84 = arith.remsi %while3A_59, %select_n3A_83 : i32
      %ne3A_85 = arith.constant 0 : i32
      %ne3A_86 = arith.cmpi ne, %rem3A_84, %ne3A_85 : i32
      %lt3A_87 = arith.constant 0 : i32
      %lt3A_88 = arith.cmpi slt, %rem3A_84, %lt3A_87 : i32
      %lt3A_89 = arith.constant 0 : i32
      %lt3A_90 = arith.cmpi slt, %select_n3A_83, %lt3A_89 : i32
      %ne3A_91 = arith.xori %lt3A_88, %lt3A_90 : i1
      %and3A_92 = arith.andi %ne3A_91, %ne3A_86 : i1
      %add3A_93 = arith.addi %rem3A_84, %select_n3A_83 : i32
      %select_n3A_94 = arith.select %and3A_92, %add3A_93, %rem3A_84 : i32
      %mul3A_95 = arith.constant 4 : i32
      %mul3A_96 = arith.muli %mul3A_95, %select_n3A_94 : i32
      %add3A_97 = arith.constant 0 : i32
      %add3A_98 = arith.addi %mul3A_96, %add3A_97 : i32
      %mul3A_99 = arith.constant 16 : i32
      %mul3A_100 = arith.muli %add3A_98, %mul3A_99 : i32
      %swap3A = arith.index_cast %select_n3A_79 : i32 to index
      %swap3A_101 = arith.index_cast %mul3A_100 : i32 to index
      %swap3A_102 = tpu.vector_load %arg7[%swap3A, %swap3A_101] {strides = array<i32>} : memref<8x1280xf32, #tpu.memory_space<vmem>>, vector<16xf32>,
      tpu.vector_store %arg7[%swap3A, %swap3A_101], %broadcast_in_dim3A_30 {strides = array<i32>} : memref<8x1280xf32, #tpu.memory_space<vmem>>, vector<16xf32>,
      %mul3A_103 = arith.constant 4 : i32
      %mul3A_104 = arith.muli %mul3A_103, %select_n3A_94 : i32
      %add3A_105 = arith.constant 1 : i32
      %add3A_106 = arith.addi %mul3A_104, %add3A_105 : i32
      %mul3A_107 = arith.constant 16 : i32
      %mul3A_108 = arith.muli %add3A_106, %mul3A_107 : i32
      %swap3A_109 = arith.index_cast %select_n3A_79 : i32 to index
      %swap3A_110 = arith.index_cast %mul3A_108 : i32 to index
      %swap3A_111 = tpu.vector_load %arg7[%swap3A_109, %swap3A_110] {strides = array<i32>} : memref<8x1280xf32, #tpu.memory_space<vmem>>, vector<16xf32>,
      tpu.vector_store %arg7[%swap3A_109, %swap3A_110], %broadcast_in_dim3A_30 {strides = array<i32>} : memref<8x1280xf32, #tpu.memory_space<vmem>>, vector<16xf32>,
      %mul3A_112 = arith.constant 4 : i32
      %mul3A_113 = arith.muli %mul3A_112, %select_n3A_94 : i32
      %add3A_114 = arith.constant 2 : i32
      %add3A_115 = arith.addi %mul3A_113, %add3A_114 : i32
      %mul3A_116 = arith.constant 16 : i32
      %mul3A_117 = arith.muli %add3A_115, %mul3A_116 : i32
      %swap3A_118 = arith.index_cast %select_n3A_79 : i32 to index
      %swap3A_119 = arith.index_cast %mul3A_117 : i32 to index
      %swap3A_120 = tpu.vector_load %arg7[%swap3A_118, %swap3A_119] {strides = array<i32>} : memref<8x1280xf32, #tpu.memory_space<vmem>>, vector<16xf32>,
      tpu.vector_store %arg7[%swap3A_118, %swap3A_119], %broadcast_in_dim3A_30 {strides = array<i32>} : memref<8x1280xf32, #tpu.memory_space<vmem>>, vector<16xf32>,
      %mul3A_121 = arith.constant 4 : i32
      %mul3A_122 = arith.muli %mul3A_121, %select_n3A_94 : i32
      %add3A_123 = arith.constant 3 : i32
      %add3A_124 = arith.addi %mul3A_122, %add3A_123 : i32
      %mul3A_125 = arith.constant 16 : i32
      %mul3A_126 = arith.muli %add3A_124, %mul3A_125 : i32
      %swap3A_127 = arith.index_cast %select_n3A_79 : i32 to index
      %swap3A_128 = arith.index_cast %mul3A_126 : i32 to index
      %swap3A_129 = tpu.vector_load %arg7[%swap3A_127, %swap3A_128] {strides = array<i32>} : memref<8x1280xf32, #tpu.memory_space<vmem>>, vector<16xf32>,
      tpu.vector_store %arg7[%swap3A_127, %swap3A_128], %broadcast_in_dim3A_30 {strides = array<i32>} : memref<8x1280xf32, #tpu.memory_space<vmem>>, vector<16xf32>,
    }
    %iota3A = tpu.iota {dimensions = array<i32: 0>} : vector<16xi32>
    %get3A = arith.constant 0 : index
    %get3A_42 = tpu.vector_load %arg6[%get3A] {strides = array<i32>} : memref<16xi32, #tpu.memory_space<vmem>>, vector<16xi32>,
    %while3A_43 = arith.constant 0 : i32
    %while3A_44 = arith.constant 0 : i32
    %while3A_45 = arith.subi %select_n3A_18, %while3A_44 : i32
    %while3A_46 = arith.addi %while3A_44, %while3A_45 : i32
    %while3A_47 = arith.constant 1 : i32
    %while3A_48 = arith.divsi %while3A_45, %while3A_47 : i32
    %while3A_49 = arith.muli %while3A_48, %while3A_47 : i32
    %while3A_50 = arith.addi %while3A_44, %while3A_49 : i32
    %while3A_51 = arith.constant 1 : i32
    scf.for %while3A_59 = %while3A_44 to %while3A_50 step %while3A_51  : i32 {
      %broadcast_in_dim3A_60 = vector.broadcast %while3A_59 : i32 to vector<16xi32>
      %lt3A_61 = arith.constant 0 : i32
      %lt3A_62 = vector.broadcast %lt3A_61 : i32 to vector<16xi32>
      %lt3A_63 = arith.cmpi slt, %broadcast_in_dim3A_60, %lt3A_62 : vector<16xi32>
      %add3A_64 = arith.constant 16 : i32
      %add3A_65 = vector.broadcast %add3A_64 : i32 to vector<16xi32>
      %add3A_66 = arith.addi %broadcast_in_dim3A_60, %add3A_65 : vector<16xi32>
      %select_n3A_67 = arith.select %lt3A_63, %add3A_66, %broadcast_in_dim3A_60 : vector<16xi1>, vector<16xi32>
      %broadcast_in_dim3A_68 = vector.shape_cast %select_n3A_67 : vector<16xi32> to vector<16x1xi32>
      %gather3A = vector.shape_cast %broadcast_in_dim3A_68 : vector<16x1xi32> to vector<16xi32>
      %gather3A_69 = tpu.dynamic_gather %get3A_42[%gather3A] in [0] : vector<16xi32>, vector<16xi32> -> vector<16xi32>
      %get3A_70 = arith.constant 0 : i32
      %get3A_71 = arith.index_cast %while3A_59 : i32 to index
      %get3A_72 = arith.index_cast %get3A_70 : i32 to index
      %get3A_73 = arith.constant 0 : index
      %get3A_74 = tpu.vector_load %arg5[%get3A_71, %get3A_72, %get3A_73] {strides = array<i32>} : memref<16x1x16xf32, #tpu.memory_space<vmem>>, vector<16xf32>,
      %jit3A_75 = arith.constant 4 : i32
      %div3A = arith.divsi %while3A_59, %jit3A_75 : i32
      %sign3A = arith.constant 0 : i32
      %sign3A_76 = arith.cmpi sgt, %while3A_59, %sign3A : i32
      %sign3A_77 = arith.extui %sign3A_76 : i1 to i32
      %sign3A_78 = arith.constant 0 : i32
      %sign3A_79 = arith.cmpi slt, %while3A_59, %sign3A_78 : i32
      %sign3A_80 = arith.extui %sign3A_79 : i1 to i32
      %sign3A_81 = arith.subi %sign3A_77, %sign3A_80 : i32
      %sign3A_82 = arith.constant 0 : i32
      %sign3A_83 = arith.cmpi sgt, %jit3A_75, %sign3A_82 : i32
      %sign3A_84 = arith.extui %sign3A_83 : i1 to i32
      %sign3A_85 = arith.constant 0 : i32
      %sign3A_86 = arith.cmpi slt, %jit3A_75, %sign3A_85 : i32
      %sign3A_87 = arith.extui %sign3A_86 : i1 to i32
      %sign3A_88 = arith.subi %sign3A_84, %sign3A_87 : i32
      %ne3A = arith.cmpi ne, %sign3A_81, %sign3A_88 : i32
      %rem3A = arith.remsi %while3A_59, %jit3A_75 : i32
      %ne3A_89 = arith.constant 0 : i32
      %ne3A_90 = arith.cmpi ne, %rem3A, %ne3A_89 : i32
      %and3A_91 = arith.andi %ne3A, %ne3A_90 : i1
      %sub3A_92 = arith.constant 1 : i32
      %sub3A_93 = arith.subi %div3A, %sub3A_92 : i32
      %select_n3A_94 = arith.select %and3A_91, %sub3A_93, %div3A : i32
      %select_n3A_95 = arith.select %lt3A_1, %select_n3A_94, %while3A_59 : i32
      %broadcast_in_dim3A_96 = vector.broadcast %select_n3A_95 : i32 to vector<16xi32>
      %mul3A_97 = arith.constant 16 : i32
      %mul3A_98 = vector.broadcast %mul3A_97 : i32 to vector<16xi32>
      %mul3A_99 = arith.muli %gather3A_69, %mul3A_98 : vector<16xi32>
      %add3A_100 = arith.addi %mul3A_99, %iota3A : vector<16xi32>
      tpu.vector_store_idx %arg7[%broadcast_in_dim3A_96, %add3A_100], %get3A_74 {add = true} : memref<8x1280xf32, #tpu.memory_space<vmem>>[vector<16xi32>, vector<16xi32>], vector<16xf32>,
    }
    %while3A_52 = arith.constant 1 : i32
    scf.for %while3A_59 = %while3A_50 to %while3A_46 step %while3A_52  : i32 {
      %broadcast_in_dim3A_60 = vector.broadcast %while3A_59 : i32 to vector<16xi32>
      %lt3A_61 = arith.constant 0 : i32
      %lt3A_62 = vector.broadcast %lt3A_61 : i32 to vector<16xi32>
      %lt3A_63 = arith.cmpi slt, %broadcast_in_dim3A_60, %lt3A_62 : vector<16xi32>
      %add3A_64 = arith.constant 16 : i32
      %add3A_65 = vector.broadcast %add3A_64 : i32 to vector<16xi32>
      %add3A_66 = arith.addi %broadcast_in_dim3A_60, %add3A_65 : vector<16xi32>
      %select_n3A_67 = arith.select %lt3A_63, %add3A_66, %broadcast_in_dim3A_60 : vector<16xi1>, vector<16xi32>
      %broadcast_in_dim3A_68 = vector.shape_cast %select_n3A_67 : vector<16xi32> to vector<16x1xi32>
      %gather3A = vector.shape_cast %broadcast_in_dim3A_68 : vector<16x1xi32> to vector<16xi32>
      %gather3A_69 = tpu.dynamic_gather %get3A_42[%gather3A] in [0] : vector<16xi32>, vector<16xi32> -> vector<16xi32>
      %get3A_70 = arith.constant 0 : i32
      %get3A_71 = arith.index_cast %while3A_59 : i32 to index
      %get3A_72 = arith.index_cast %get3A_70 : i32 to index
      %get3A_73 = arith.constant 0 : index
      %get3A_74 = tpu.vector_load %arg5[%get3A_71, %get3A_72, %get3A_73] {strides = array<i32>} : memref<16x1x16xf32, #tpu.memory_space<vmem>>, vector<16xf32>,
      %jit3A_75 = arith.constant 4 : i32
      %div3A = arith.divsi %while3A_59, %jit3A_75 : i32
      %sign3A = arith.constant 0 : i32
      %sign3A_76 = arith.cmpi sgt, %while3A_59, %sign3A : i32
      %sign3A_77 = arith.extui %sign3A_76 : i1 to i32
      %sign3A_78 = arith.constant 0 : i32
      %sign3A_79 = arith.cmpi slt, %while3A_59, %sign3A_78 : i32
      %sign3A_80 = arith.extui %sign3A_79 : i1 to i32
      %sign3A_81 = arith.subi %sign3A_77, %sign3A_80 : i32
      %sign3A_82 = arith.constant 0 : i32
      %sign3A_83 = arith.cmpi sgt, %jit3A_75, %sign3A_82 : i32
      %sign3A_84 = arith.extui %sign3A_83 : i1 to i32
      %sign3A_85 = arith.constant 0 : i32
      %sign3A_86 = arith.cmpi slt, %jit3A_75, %sign3A_85 : i32
      %sign3A_87 = arith.extui %sign3A_86 : i1 to i32
      %sign3A_88 = arith.subi %sign3A_84, %sign3A_87 : i32
      %ne3A = arith.cmpi ne, %sign3A_81, %sign3A_88 : i32
      %rem3A = arith.remsi %while3A_59, %jit3A_75 : i32
      %ne3A_89 = arith.constant 0 : i32
      %ne3A_90 = arith.cmpi ne, %rem3A, %ne3A_89 : i32
      %and3A_91 = arith.andi %ne3A, %ne3A_90 : i1
      %sub3A_92 = arith.constant 1 : i32
      %sub3A_93 = arith.subi %div3A, %sub3A_92 : i32
      %select_n3A_94 = arith.select %and3A_91, %sub3A_93, %div3A : i32
      %select_n3A_95 = arith.select %lt3A_1, %select_n3A_94, %while3A_59 : i32
      %broadcast_in_dim3A_96 = vector.broadcast %select_n3A_95 : i32 to vector<16xi32>
      %mul3A_97 = arith.constant 16 : i32
      %mul3A_98 = vector.broadcast %mul3A_97 : i32 to vector<16xi32>
      %mul3A_99 = arith.muli %gather3A_69, %mul3A_98 : vector<16xi32>
      %add3A_100 = arith.addi %mul3A_99, %iota3A : vector<16xi32>
      tpu.vector_store_idx %arg7[%broadcast_in_dim3A_96, %add3A_100], %get3A_74 {add = true} : memref<8x1280xf32, #tpu.memory_space<vmem>>[vector<16xi32>, vector<16xi32>], vector<16xf32>,
    }
    %convert_element_type3A_53 = arith.extui %lt3A_1 : i1 to i32
    %cond3A_54 = arith.constant 0 : i32
    %cond3A_55 = arith.cmpi ne, %convert_element_type3A_53, %cond3A_54 : i32
    scf.if %cond3A_55 {
      %mul3A_59 = arith.constant 4 : i32
      %mul3A_60 = arith.muli %mul3A_59, %add3A : i32
      "tpu.region"() ({
        %run_scoped3A = tpu.sem_alloc : memref<!tpu.dma_semaphore, #tpu.memory_space<semaphore_mem>>
        %dma_start3A = arith.constant 0 : i32
        %dma_start3A_61 = arith.constant 0 : i32
        %dma_start3A_62 = tpu.memref_slice %arg7[%dma_start3A, %dma_start3A_61] : memref<8x1280xf32, #tpu.memory_space<vmem>> -> memref<4x1280xf32, #tpu.memory_space<vmem>>
        %dma_start3A_63 = arith.constant 0 : i32
        %dma_start3A_64 = tpu.memref_slice %arg4[%mul3A_60, %dma_start3A_63] : memref<128x1280xf32, #tpu.memory_space<hbm>> -> memref<4x1280xf32, #tpu.memory_space<hbm>>
        %dma_start3A_65 = arith.constant 0 : i32
        %dma_start3A_66 = tpu.memref_slice %arg4[%mul3A_60, %dma_start3A_65] : memref<128x1280xf32, #tpu.memory_space<hbm>> -> memref<4x1280xf32, #tpu.memory_space<hbm>>
        %dma_start3A_67 = arith.constant 0 : i32
        %dma_start3A_68 = arith.constant 0 : i32
        %dma_start3A_69 = tpu.memref_slice %arg7[%dma_start3A_67, %dma_start3A_68] : memref<8x1280xf32, #tpu.memory_space<vmem>> -> memref<4x1280xf32, #tpu.memory_space<vmem>>
        tpu.enqueue_dma source(%dma_start3A_69 : memref<4x1280xf32, #tpu.memory_space<vmem>>) target(%dma_start3A_66 : memref<4x1280xf32, #tpu.memory_space<hbm>>) target_semaphore(%run_scoped3A : memref<!tpu.dma_semaphore, #tpu.memory_space<semaphore_mem>>)
        %dma_wait3A = arith.constant 0 : i32
        %dma_wait3A_70 = arith.constant 0 : i32
        %dma_wait3A_71 = tpu.memref_slice %arg7[%dma_wait3A, %dma_wait3A_70] : memref<8x1280xf32, #tpu.memory_space<vmem>> -> memref<4x1280xf32, #tpu.memory_space<vmem>>
        %dma_wait3A_72 = arith.constant 0 : i32
        %dma_wait3A_73 = tpu.memref_slice %arg4[%mul3A_60, %dma_wait3A_72] : memref<128x1280xf32, #tpu.memory_space<hbm>> -> memref<4x1280xf32, #tpu.memory_space<hbm>>
        %dma_wait3A_74 = arith.constant 0 : i32
        %dma_wait3A_75 = tpu.memref_slice %arg4[%mul3A_60, %dma_wait3A_74] : memref<128x1280xf32, #tpu.memory_space<hbm>> -> memref<4x1280xf32, #tpu.memory_space<hbm>>
        %dma_wait3A_76 = arith.constant 0 : i32
        %dma_wait3A_77 = arith.constant 0 : i32
        %dma_wait3A_78 = tpu.memref_slice %arg7[%dma_wait3A_76, %dma_wait3A_77] : memref<8x1280xf32, #tpu.memory_space<vmem>> -> memref<4x1280xf32, #tpu.memory_space<vmem>>
        tpu.wait_dma2 semaphore(%run_scoped3A : memref<!tpu.dma_semaphore, #tpu.memory_space<semaphore_mem>>) src(%dma_wait3A_78 : memref<4x1280xf32, #tpu.memory_space<vmem>>) dst(%dma_wait3A_75 : memref<4x1280xf32, #tpu.memory_space<hbm>>)
        tpu.yield
      }) : () -> ()
    } else {
    }
    %convert_element_type3A_56 = arith.extui %and3A : i1 to i32
    %cond3A_57 = arith.constant 0 : i32
    %cond3A_58 = arith.cmpi ne, %convert_element_type3A_56, %cond3A_57 : i32
    scf.if %cond3A_58 {
      %mul3A_59 = arith.constant 8 : i32
      %mul3A_60 = arith.muli %mul3A_59, %min3A_6 : i32
      %add3A_61 = arith.constant 64 : i32
      %add3A_62 = arith.addi %add3A_61, %mul3A_60 : i32
      "tpu.region"() ({
        %run_scoped3A = tpu.sem_alloc : memref<!tpu.dma_semaphore, #tpu.memory_space<semaphore_mem>>
        %dma_start3A = arith.constant 0 : i32
        %dma_start3A_63 = arith.constant 0 : i32
        %dma_start3A_64 = tpu.memref_slice %arg7[%dma_start3A, %dma_start3A_63] : memref<8x1280xf32, #tpu.memory_space<vmem>> -> memref<8x1280xf32, #tpu.memory_space<vmem>>
        %dma_start3A_65 = arith.constant 0 : i32
        %dma_start3A_66 = tpu.memref_slice %arg4[%add3A_62, %dma_start3A_65] : memref<128x1280xf32, #tpu.memory_space<hbm>> -> memref<8x1280xf32, #tpu.memory_space<hbm>>
        %dma_start3A_67 = arith.constant 0 : i32
        %dma_start3A_68 = tpu.memref_slice %arg4[%add3A_62, %dma_start3A_67] : memref<128x1280xf32, #tpu.memory_space<hbm>> -> memref<8x1280xf32, #tpu.memory_space<hbm>>
        %dma_start3A_69 = arith.constant 0 : i32
        %dma_start3A_70 = arith.constant 0 : i32
        %dma_start3A_71 = tpu.memref_slice %arg7[%dma_start3A_69, %dma_start3A_70] : memref<8x1280xf32, #tpu.memory_space<vmem>> -> memref<8x1280xf32, #tpu.memory_space<vmem>>
        tpu.enqueue_dma source(%dma_start3A_71 : memref<8x1280xf32, #tpu.memory_space<vmem>>) target(%dma_start3A_68 : memref<8x1280xf32, #tpu.memory_space<hbm>>) target_semaphore(%run_scoped3A : memref<!tpu.dma_semaphore, #tpu.memory_space<semaphore_mem>>)
        %dma_wait3A = arith.constant 0 : i32
        %dma_wait3A_72 = arith.constant 0 : i32
        %dma_wait3A_73 = tpu.memref_slice %arg7[%dma_wait3A, %dma_wait3A_72] : memref<8x1280xf32, #tpu.memory_space<vmem>> -> memref<8x1280xf32, #tpu.memory_space<vmem>>
        %dma_wait3A_74 = arith.constant 0 : i32
        %dma_wait3A_75 = tpu.memref_slice %arg4[%add3A_62, %dma_wait3A_74] : memref<128x1280xf32, #tpu.memory_space<hbm>> -> memref<8x1280xf32, #tpu.memory_space<hbm>>
        %dma_wait3A_76 = arith.constant 0 : i32
        %dma_wait3A_77 = tpu.memref_slice %arg4[%add3A_62, %dma_wait3A_76] : memref<128x1280xf32, #tpu.memory_space<hbm>> -> memref<8x1280xf32, #tpu.memory_space<hbm>>
        %dma_wait3A_78 = arith.constant 0 : i32
        %dma_wait3A_79 = arith.constant 0 : i32
        %dma_wait3A_80 = tpu.memref_slice %arg7[%dma_wait3A_78, %dma_wait3A_79] : memref<8x1280xf32, #tpu.memory_space<vmem>> -> memref<8x1280xf32, #tpu.memory_space<vmem>>
        tpu.wait_dma2 semaphore(%run_scoped3A : memref<!tpu.dma_semaphore, #tpu.memory_space<semaphore_mem>>) src(%dma_wait3A_80 : memref<8x1280xf32, #tpu.memory_space<vmem>>) dst(%dma_wait3A_77 : memref<8x1280xf32, #tpu.memory_space<hbm>>)
        tpu.yield
      }) : () -> ()
    } else {
    }
    return
  }
}

module attributes {stable_mosaic.version = 14 : i64} {
  func.func @_mm_body(%arg0: i32, %arg1: memref<128x1280xbf16, #tpu.memory_space<vmem>>, %arg2: memref<1280x2048xbf16, #tpu.memory_space<vmem>>, %arg3: memref<128x2048xf32, #tpu.memory_space<vmem>>) attributes {dimension_semantics = [#tpu.dimension_semantics<arbitrary>], iteration_bounds = array<i64: 2>, scalar_prefetch = 0 : i64, scratch_operands = 0 : i64, tpu.core_type = #tpu.core_type<tc>, window_params = [{pipeline_mode = #tpu.pipeline_mode<synchronous>, transform_indices = @transform_0, window_bounds = array<i64: 128, 1280>}, {transform_indices = @transform_1, window_bounds = array<i64: 1280, 2048>}, {transform_indices = @transform_2, window_bounds = array<i64: 128, 2048>}]} {
    %get3A = arith.constant 0 : index
    %get3A_0 = arith.constant 0 : index
    %get3A_1 = vector.load %arg1[%get3A, %get3A_0] : memref<128x1280xbf16, #tpu.memory_space<vmem>>, vector<128x1280xbf16>
    %get3A_2 = arith.constant 0 : index
    %get3A_3 = arith.constant 0 : index
    %get3A_4 = vector.load %arg2[%get3A_2, %get3A_3] : memref<1280x2048xbf16, #tpu.memory_space<vmem>>, vector<1280x2048xbf16>
    %dot_general3A = arith.constant dense<0.000000e+00> : vector<128x2048xf32>
    %dot_general3A_5 = tpu.matmul %get3A_1, %get3A_4, %dot_general3A {dimension_numbers = #tpu.dot_dimension_numbers<[1], [0], [0], [1], [0, 0, 1, 1], [], []>, transpose_lhs_hint = false} : vector<128x1280xbf16>, vector<1280x2048xbf16>, vector<128x2048xf32> -> vector<128x2048xf32>
    %mul3A = arith.constant 2.000000e+00 : f32
    %mul3A_6 = vector.broadcast %mul3A : f32 to vector<128x2048xf32>
    %mul3A_7 = arith.mulf %dot_general3A_5, %mul3A_6 : vector<128x2048xf32>
    %swap3A = arith.constant 0 : index
    %swap3A_8 = arith.constant 0 : index
    %swap3A_9 = vector.load %arg3[%swap3A, %swap3A_8] : memref<128x2048xf32, #tpu.memory_space<vmem>>, vector<128x2048xf32>
    tpu.vector_store %arg3[%swap3A, %swap3A_8], %mul3A_7 {strides = array<i32>} : memref<128x2048xf32, #tpu.memory_space<vmem>>, vector<128x2048xf32>,
    return
  }
  func.func @transform_0(%arg0: i32) -> (i32, i32) {
    %c0_i32 = arith.constant 0 : i32
    %c0_i32_0 = arith.constant 0 : i32
    %c0_i32_1 = arith.constant 0 : i32
    return %c0_i32, %c0_i32_0 : i32, i32
  }
  func.func @transform_1(%arg0: i32) -> (i32, i32) {
    %c0_i32 = arith.constant 0 : i32
    %c0_i32_0 = arith.constant 0 : i32
    return %c0_i32, %arg0 : i32, i32
  }
  func.func @transform_2(%arg0: i32) -> (i32, i32) {
    %c0_i32 = arith.constant 0 : i32
    %c0_i32_0 = arith.constant 0 : i32
    return %c0_i32, %arg0 : i32, i32
  }
}

</mosaic_0001>

<sc_bundles>
// kernel: kernel.4.cloned.1.call-start
scs
__scs_entry_jumppad:
0x0: {  	(pc) =	sbr.rel $0x88, $3  }
0x1: {  	(tag) =	ssettag $0x0;
	lr =	simm.s32 $0x1  }
0x2: {  	[smem:$0x3F9E] =	sst lr;
	_ =	strace $0xD0000000  }
0x3: {  	_ = 	snop  }
0x4: {  	_ = 	snop  }
0x5: {  	_ = 	snop  }
0x6: {  	_ = 	snop  }
0x7: {  	_ = 	snop  }
__scs_overlays_trampoline_lowered:
0x8: {  	[smem:$0x3FAD] =	sst s0  }
0x9: {  	[smem:$0x3FAE] =	sst s1  }
0xa: {  	[smem:$0x3FAF] =	sst s2  }
0xb: {  	[smem:$0x3FB0] =	sst s3  }
0xc: {  	[smem:$0x3FB1] =	sst s4  }
0xd: {  	[smem:$0x3FB2] =	sst s5  }
0xe: {  	[smem:$0x3FB3] =	sst s6  }
0xf: {  	[smem:$0x3FB4] =	sst s7  }
0x10: {  	[smem:$0x3FB5] =	sst s8  }
0x11: {  	[smem:$0x3FB6] =	sst s9;
	s0 =	simm.s32 @!p0 $0x0  }
0x12: {  	s1 =	sld [smem:$0x3F9C];
	s0 =	simm.s32 @p0 $0x1  }
0x13: {  	[smem:$0x3FB7] =	sst s0;
	s0 =	simm.s32 @!p1 $0x0  }
0x14: {  	s2 =	sld [smem:$0x3F9B];
	s0 =	simm.s32 @p1 $0x1  }
0x15: {  	[smem:$0x3FB8] =	sst s0;
	s0 =	simm.s32 @!p2 $0x0  }
0x16: {  	s3 =	sld [smem:$0x3FDB];
	s0 =	simm.s32 @p2 $0x1  }
0x17: {  	s4 =	simm.s32 $0x1BF5;
	[smem:$0x3FBA] =	sst s0  }
0x18: {  	s0 =	sld [smem:$0x3F9D];
	_ =	swait.ge [sflag:s4], $0x0  }
0x19: {  	s7 =	sld [smem:$0x3F9E]  }
0x1a: {  	s8 =	sadd.s32 $0xFFFFE003, lr  }
0x1b: {  	s9 =	sadd.s32 $0xFFFFFEF7, lr;
	s5 =	simm.s32 $0xFFFFFFFF;
	p2 =	slt.u32 s8, $0xFFFFF086  }
0x1c: {  	p1 =	slt.u32 s9, $0xF7A;
	s5 =	simm.s32 @!p2 $0x0  }
0x1d: {  	s5 =	simm.s32 @p1 $0x1;
	p0 =	seq.s32 s7, s2  }
0x1e: {  	s7 =	smul.u32 @!p0 $0xF7A, s2;
	p2 =	seq.s32 @!p0 s5, $0x0  }
0x1f: {  	s9 =	smul.u32 $0xF7A, s1;
	s8 =	simm.s32 @!p0 $0x1BF5;
	p2 =	por !p2, p0  }
0x20: {  	[sflag:s8] =	ssyncset.s32 @!p0 $0xFFFFF086;
	s6 =	sadd.s32 @!p0 s3, s7;
	s7 =	simm.s32 @!p0 $0x108  }
0x21: {  	s3 =	sadd.s32 s3, s9;
	s6 =	sadd.s32 @!p0 $0x88, s6;
	s7 =	simm.s32 @p2 $0x1082  }
0x22: {  	[simem:s7], [sflag:s8] =	dma.local @!p0 [hbm:s6], $0xF7A  }
0x23: {  	s9 =	sor.u32 $0xD0000000, s2;
	s6 =	simm.s32 $0x108;
	_ =	swait.ge @!p0 [sflag:s8], $0x0  }
0x24: {  	s3 =	sadd.s32 $0x88, s3;
	s6 =	simm.s32 @!p1 $0x1082;
	[sflag:s4] =	ssyncset.s32 $0xFFFFF086  }
0x25: {  	[simem:s6], [sflag:s4] =	dma.local [hbm:s3], $0xF7A  }
0x26: {  	[smem:$0x3F9E] =	sst s1;
	(tag) =	ssettag s2;
	_ =	strace s9  }
0x27: {  	s1 =	sld [smem:$0x3FAE]  }
0x28: {  	s2 =	sld [smem:$0x3FAF]  }
0x29: {  	s4 =	sld [smem:$0x3FB1]  }
0x2a: {  	p0 =	seq.s32 s5, $0x0;
	s5 =	sld [smem:$0x3FB2]  }
0x2b: {  	s6 =	sld [smem:$0x3FB3]  }
0x2c: {  	s7 =	sld [smem:$0x3FB4]  }
0x2d: {  	s3 =	simm.s32 $0x108;
	s8 =	sld [smem:$0x3FB5]  }
0x2e: {  	s3 =	simm.s32 @!p0 $0x1082;
	s9 =	sld [smem:$0x3FB6]  }
0x2f: {  	lr =	sadd.s32 s0, s3;
	s0 =	sld [smem:$0x3FAD]  }
0x30: {  	s3 =	sld [smem:$0x3FB0]  }
0x31: {  	[smem:$0x3FB9] =	sst s10  }
0x32: {  	s10 =	sld [smem:$0x3FB7];
	_ =	sdelay $0x3  }
0x33: {  	p0 =	seq.s32 s10, $0x1;
	s10 =	sld [smem:$0x3FB9];
	_ =	sdelay $0x3  }
0x34: {  	[smem:$0x3FB9] =	sst s10  }
0x35: {  	s10 =	sld [smem:$0x3FB8];
	_ =	sdelay $0x3  }
0x36: {  	p1 =	seq.s32 s10, $0x1;
	s10 =	sld [smem:$0x3FB9];
	_ =	sdelay $0x3  }
0x37: {  	[smem:$0x3FB9] =	sst s10  }
0x38: {  	s10 =	sld [smem:$0x3FBA]  }
0x39: {  	_ = 	snop;
	(pc) =	sbr.ind lr, $3  }
0x3a: {  	_ = 	snop  }
0x3b: {  	_ = 	snop  }
0x3c: {  	p2 =	seq.s32 s10, $0x1;
	s10 =	sld [smem:$0x3FB9]  }
0x3d: {  	_ =	shalt  }
0x3e: {  	_ =	shalt  }
0x3f: {  	_ =	shalt  }
0x40: {  	_ =	shalt  }
0x41: {  	_ =	shalt  }
0x42: {  	_ =	shalt  }
0x43: {  	_ =	shalt  }
0x44: {  	_ =	shalt  }
0x45: {  	_ =	shalt  }
0x46: {  	_ =	shalt  }
0x47: {  	_ =	shalt  }
0x48: {  	_ =	shalt  }
0x49: {  	_ =	shalt  }
0x4a: {  	_ =	shalt  }
0x4b: {  	_ =	shalt  }
0x4c: {  	_ =	shalt  }
0x4d: {  	_ =	shalt  }
0x4e: {  	_ =	shalt  }
0x4f: {  	_ =	shalt  }
0x50: {  	_ =	shalt  }
0x51: {  	_ =	shalt  }
0x52: {  	_ =	shalt  }
0x53: {  	_ =	shalt  }
0x54: {  	_ =	shalt  }
0x55: {  	_ =	shalt  }
0x56: {  	_ =	shalt  }
0x57: {  	_ =	shalt  }
0x58: {  	_ =	shalt  }
0x59: {  	_ =	shalt  }
0x5a: {  	_ =	shalt  }
0x5b: {  	_ =	shalt  }
0x5c: {  	_ =	shalt  }
0x5d: {  	_ =	shalt  }
0x5e: {  	_ =	shalt  }
0x5f: {  	_ =	shalt  }
0x60: {  	_ =	shalt  }
0x61: {  	_ =	shalt  }
0x62: {  	_ =	shalt  }
0x63: {  	_ =	shalt  }
0x64: {  	_ =	shalt  }
0x65: {  	_ =	shalt  }
0x66: {  	_ =	shalt  }
0x67: {  	_ =	shalt  }
0x68: {  	_ =	shalt  }
0x69: {  	_ =	shalt  }
0x6a: {  	_ =	shalt  }
0x6b: {  	_ =	shalt  }
0x6c: {  	_ =	shalt  }
0x6d: {  	_ =	shalt  }
0x6e: {  	_ =	shalt  }
0x6f: {  	_ =	shalt  }
0x70: {  	_ =	shalt  }
0x71: {  	_ =	shalt  }
0x72: {  	_ =	shalt  }
0x73: {  	_ =	shalt  }
0x74: {  	_ =	shalt  }
0x75: {  	_ =	shalt  }
0x76: {  	_ =	shalt  }
0x77: {  	_ =	shalt  }
0x78: {  	_ =	shalt  }
0x79: {  	_ =	shalt  }
0x7a: {  	_ =	shalt  }
0x7b: {  	_ =	shalt  }
0x7c: {  	_ =	shalt  }
0x7d: {  	_ =	shalt  }
0x7e: {  	_ =	shalt  }
0x7f: {  	_ =	shalt  }
0x80: {  	_ =	shalt  }
0x81: {  	_ =	shalt  }
0x82: {  	_ =	shalt  }
0x83: {  	_ =	shalt  }
0x84: {  	_ =	shalt  }
0x85: {  	_ =	shalt  }
0x86: {  	_ =	shalt  }
0x87: {  	_ =	shalt  }
.Lfunc_end0:
.L_simem_size_0:
called_computation_lowered:
.L_overlay_start_0:
0x88: {  	s2 =	sld [smem:$0x3FD9]  }
0x89: {  	s3 =	sld [smem:$0x3FFE];
	_ =	sdelay $0x1  }
0x8a: {  	s1 =	srdreg.scid  }
0x8b: {  	s0 =	sand.u32 $0x1, s1  }
0x8c: {  	s17 =	sshll.u32 s0, $0xA;
	s2 =	sadd.s32 s3, s2  }
0x8d: {  	s2 =	sadd.s32 s2, s17  }
0x8e: {  	[smem:$0x3FC5] =	sst s2  }
0x8f: {  	_ = 	snop  }
0x90: {  	s2 =	sld [smem:$0x3FC8]  }
0x91: {  	s18 =	sld [smem:$0x3FD0];
	(tm) =	ssettm $0x1  }
0x92: {  	s4 =	sld [smem:$0x3FFB];
	_ =	sdelay $0x3  }
0x93: {  	_ =	strace s4  }
0x94: {  	s4 =	sld [smem:$0x3FFC];
	_ =	sdelay $0x3  }
0x95: {  	_ =	strace s4  }
0x96: {  	s4 =	sld [smem:$0x3FFD];
	_ =	sdelay $0x3  }
0x97: {  	_ =	strace s4  }
0x98: {  	_ =	strace $0x8FFFFFFF  }
0x99: {  	s19 =	sld [smem:$0x3FDB];
	_ =	sdelay $0x1  }
0x9a: {  	s5 =	simm.s32 $_scs_section_size  }
0x9b: {  	s6 =	simm.s32 $_size__tile_overlayer_lowered;
	s7 =	simm.s32 $_tile_overlayer_lowered  }
0x9c: {  	s22 =	simm.s32 $0x1BFF;
	s21 =	sshll.u32 s7, $0x1;
	s4 =	sadd.s32 s5, s19  }
0x9d: {  	s8 =	simm.s32 $0x0;
	s20 =	sshll.u32 s6, $0x1;
	s6 =	sadd.s32 s21, s4  }
0x9e: {  	[timem:s8], [sflag:s22] =	dma.local [hbm:s6], s20  }
0x9f: {  	_ =	swait.ge [sflag:s22], s20  }
0xa0: {  	s5 =	ssub.s32 $0x0, s20;
	[sflag:s22] =	ssyncset.done $0x0  }
0xa1: {  	[sflag:s22] =	ssyncadd.s32 s5;
	_ =	sdelay $0x1  }
0xa2: {  	s23 =	simm.s32 $0x1B8B  }
0xa3: {  	_ =	swait.ge [sflag:s23], $0x1  }
0xa4: {  	[sflag:s23] =	ssyncset.done $0x0  }
0xa5: {  	s25 =	simm.s32 $0x1B8E;
	s24 =	sld [smem:$0x3FFE];
	[sflag:s23] =	ssyncadd.s32 $0xFFFFFFFF  }
0xa6: {  	s26 =	simm.s32 $execute0_lowered;
	[smem:$0x3FD2] =	sst s25  }
0xa7: {  	s6 =	sshll.u32 s26, $0x1;
	_ =	strace $0x80000046;
	[dreg:$0x1] =	wrdreg $0xFFFFFFFF  }
0xa8: {  	s28 =	simm.s32 $_size_execute0_lowered;
	s4 =	sadd.s32 s4, s6;
	[dreg:$0x0] =	wrdreg $0x0  }
0xa9: {  	s6 =	sshll.u32 s28, $0x1;
	[dreg:$0x2] =	wrdreg s4  }
0xaa: {  	[dreg:$0x3] =	wrdreg s6  }
0xab: {  	[dreg:$0x4] =	wrdreg $0xC0  }
0xac: {  	_ =	task [dreg:s8], $0x5FFFF  }
0xad: {  	[dreg:$0x1] =	wrdreg $0xFFFFFFFF  }
0xae: {  	[dreg:$0x0] =	wrdreg $0x60  }
0xaf: {  	[dreg:$0x2] =	wrdreg s24  }
0xb0: {  	[dreg:$0x3] =	wrdreg s2  }
0xb1: {  	[dreg:$0x4] =	wrdreg s18  }
0xb2: {  	[dreg:$0x5] =	wrdreg $0x9  }
0xb3: {  	_ =	task.clear_ibuf [dreg:s8], $0x6FFFF;
	_ =	strace $0x90000046  }
0xb4: {  	s29 =	simm.s32 $0x9;
	_ =	strace $0x80000048  }
0xb5: {  	_ =	swait.ge [sflag:s29], $0x1  }
0xb6: {  	[sflag:s29] =	ssyncadd.s32 $0xFFFFFFFF  }
0xb7: {  	_ =	strace $0x90000048  }
0xb8: {  	_ =	sfence  }
0xb9: {  	s30 =	sld [smem:$0x0];
	_ =	sdelay $0x2  }
0xba: {  	s31 =	sshll.u32 s1, $0xD;
	s1 =	sshrl.u32 s1, $0x2  }
0xbb: {  	s3 =	sand.u32 $0x4000, s31;
	s1 =	sadd.s32 s1, s30  }
0xbc: {  	s0 =	sor.u32 s3, s0;
	s1 =	sshll.u32 s1, $0x11  }
0xbd: {  	s0 =	sor.u32 s1, s0  }
0xbe: {  	s0 =	sadd.s32 $0x8F2B, s0  }
0xbf: {  	[sflag:s0] =	ssyncadd.remote.s32 $0x1  }
0xc0: {  	_ =	sfence.sel $0xFFFF  }
0xc1: {  	[dreg:$0x0] =	wrdreg $0xFFFFFFFF;
	(pc) =	sbr.abs _section_cstart, $3  }
0xc2: {  	[dreg:$0x1] =	wrdreg $0xFFFFFFFF  }
0xc3: {  	_ =	task.clear_ibuf [dreg:s8], $0x2FFFF;
	_ =	strace $0x9FFFFFFF  }
0xc4: {  	(tm) =	ssettm $0x7FFFFFFF  }
0xc5: {  	_ =	shalt  }
tec
execute0_lowered:
.L_overlay_start_1:
0x0: {  	(tag) =	ssettag $0x1  }
0x1: {  	s3 =	rddreg [dreg:$0x0]  }
0x2: {  	s7 =	rddreg [dreg:$0x1]  }
0x3: {  	s9 =	rddreg [dreg:$0x2]  }
0x4: {  	s0 =	rddreg [dreg:$0x3];
	s2 =	simm.s32 $0x0  }
0x5: {  	s4 =	srdreg.scid;
	s1 =	stileid.u32;
	s18 =	simm.s32 $0x880  }
0x6: {  	s19 =	simm.s32 $0x0;
	[smem:$0x7FF] =	sst s2;
	s10 =	sand.u32 $0x1, s4  }
0x7: {  	s24 =	sshll.u32 s1, $0x1;
	s6 =	sadd.s32 $0x400, s3;
	p0 =	slt.u32 s1, $0x8  }
0x8: {  	p1 =	slt.u32 s1, $0xC;
	s12 =	sand.u32 $0xC, s1;
	s3 =	simm.s32 $0x8  }
0x9: {  	s15 =	smul.u32 $0x2800, s1;
	_ =	strace $0x80000047;
	s5 =	ssub.s32 $0x2, s10  }
0xa: {  	s4 =	sor.u32 s10, s24;
	s3 =	simm.s32 @!p1 $0x0;
	s10 =	sshll.u32 s10, $0x9  }
0xb: {  	p1 =	sgt.u32 s1, $0x7;
	p2 =	sne.s32 s12, $0x8;
	s25 =	sshrl.u32 s5, $0x1  }
0xc: {  	s8 =	smin.u32 s4, $0x17;
	s28 =	sshll.u32 s4, $0x8;
	s14 =	sshll.u32 s4, $0x1  }
0xd: {  	s10 =	sor.u32 s10, s15;
	s11 =	ssub.s32 s5, s25;
	s8 =	sadd.s32 $0xFFFFFFF0, s8  }
0xe: {  	s4 =	sadd.s32 s6, s28;
	s5 =	sadd.s32 s7, s14;
	s30 =	smul.u32 $0x2800, s8  }
0xf: {  	s10 =	sshrl.u32 s10, $0x3;
	s26 =	sshll.u32 s8, $0x3;
	s8 =	smul.u32 $0x14, s3  }
0x10: {  	s3 =	simm.s32 @p0 $0x10;
	s11 =	smax.u32 s11, $0x1;
	s13 =	sadd.s32 $0x100, s26  }
0x11: {  	p4 =	seq.s32 s3, $0x0;
	s29 =	sshll.u32 s13, $0x4;
	s13 =	sshrl.u32 s13, $0x3  }
0x12: {  	s31 =	sshrl.u32 s30, $0x3;
	s8 =	simm.s32 @p0 $0x50;
	s6 =	sadd.s32 s6, s29  }
.Ltmp0:
0x13: {  	s7 =	sadd.s32 s7, s13;
	s13 =	sadd.s32 s9, s31;
	(pc) =	sbr.rel .LBB2_1-.Ltmp0, $4  }
0x14: {  	s9 =	sadd.s32 s9, s10;
	p3 =	seq.s32 s8, $0x0;
	s10 =	sadd.s32 $0x2800, s13  }
0x15: {  	s12 =	simm.s32 @!p3 $0x0;
	s13 =	sadd.s32 @!p1 $0x100, s9;
	s14 =	sadd.s32 @!p1 $0x180, s9  }
0x16: {  	s15 =	sadd.s32 @!p1 $0x200, s9;
	s16 =	sadd.s32 @!p1 $0x280, s9;
	s12 =	simm.s32 @p3 $0x1  }
0x17: {  	v0 =	vlaneseq.u32;
	v1 =	vimm.f32 $0.0e+00;
	s17 =	sadd.s32 @!p1 $0x300, s9;
	[smem:$0x7FD] =	sst s12;
	s12 =	sadd.s32 @!p1 $0x80, s9  }
.LBB2_9:
0x18: {  	s21 =	simm.s32 $0x0;
	s24 =	simm.s32 $0x0  }
.LBB2_16:
0x19: {  	_ =	sdelay $0x2  }
0x1a: {  	s22 =	sadd.s32 @p6 $0x80, s24;
	s24 =	simm.s32 $0x0  }
0x1b: {  	v6 =	vor.u32 @p5 v7, v6;
	[tilespmem:v3+s18+$0x0] =	vst.idx.add.f32.msk @p6 $0xffff, v5;
	s24 =	smov.u32 @p6 s22  }
0x1c: {  	v8 =	vmov s21;
	s21 =	smov.u32 @p0 s23;
	v4 =	vor.u32 @p5 v4, v6;
	v3 =	vld @p5 [tilespmem:s24+$0x0]  }
0x1d: {  	v2 =	vperm.xlane v2, v8;
	v60 =	vmov s21;
	v4 =	vpsel p5, v4, v0  }
0x1e: {  	v61 =	vshrl.u32 v60, $0x3;
	v5 =	vshll.u32 v60, $0x7  }
0x1f: {  	v62 =	vshll.u32 v2, $0x4;
	v6 =	vmul.u32 $0x2800, v61;
	v2 =	vshll.u32 v2, $0x7  }
0x20: {  	v5 =	vand.u32 $0x380, v5;
	v2 =	vand.u32 $0xFFFFFC00, v2  }
0x21: {  	s21 =	sadd.s32 @p5 $0x80, s24;
	v7 =	vor.u32 v0, v62;
	v2 =	vadd.s32 v6, v2;
	v3 =	vpsel p5, v3, v0  }
0x22: {  	s20 =	smov.u32 @p5 s21;
	v63 =	vand.u32 $0x7F, v7;
	v2 =	vor.u32 v5, v2;
	[tilespmem:v4+s18+$0x0] =	vst.idx.add.f32.msk @p5 $0xffff, v3  }
0x23: {  	v2 =	vor.u32 v63, v2;
	v3 =	vld [tilespmem:s20+$0x0];
	_ =	sdelay $0x4  }
0x24: {  	[tilespmem:v2+s18+$0x0] =	vst.idx.add.f32.msk $0xffff, v3  }
.LBB2_17:
0x25: {  	s20 =	simm.s32 @!p1 $0x0;
	s21 =	simm.s32 @!p1 $0x880  }
0x26: {  	[hbm4b:s9+s20] =	stream.linear.scatter @!p1 [tilespmem:s21], [sflag:$0x1], $0x200, $0x38;
	[tilespmem:$0x3080] =	vst v63  }
0x27: {  	s21 =	simm.s32 @!p1 $0xC80  }
0x28: {  	[hbm4b:s12+s20] =	stream.linear.scatter @!p1 [tilespmem:s21], [sflag:$0x1], $0x200, $0x38;
	[tilespmem:$0x3080] =	vst v63  }
0x29: {  	s21 =	simm.s32 @!p1 $0x1080  }
0x2a: {  	[hbm4b:s13+s20] =	stream.linear.scatter @!p1 [tilespmem:s21], [sflag:$0x1], $0x200, $0x38;
	[tilespmem:$0x3080] =	vst v63  }
0x2b: {  	s21 =	simm.s32 @!p1 $0x1480  }
0x2c: {  	[hbm4b:s14+s20] =	stream.linear.scatter @!p1 [tilespmem:s21], [sflag:$0x1], $0x200, $0x38;
	[tilespmem:$0x3080] =	vst v63  }
0x2d: {  	s21 =	simm.s32 @!p1 $0x1880  }
0x2e: {  	[hbm4b:s15+s20] =	stream.linear.scatter @!p1 [tilespmem:s21], [sflag:$0x1], $0x200, $0x38;
	[tilespmem:$0x3080] =	vst v63  }
0x2f: {  	s21 =	simm.s32 @!p1 $0x1C80  }
0x30: {  	[hbm4b:s16+s20] =	stream.linear.scatter @!p1 [tilespmem:s21], [sflag:$0x1], $0x200, $0x38;
	[tilespmem:$0x3080] =	vst v63  }
0x31: {  	s21 =	simm.s32 @!p1 $0x2080  }
0x32: {  	[hbm4b:s17+s20] =	stream.linear.scatter @!p1 [tilespmem:s21], [sflag:$0x1], $0x200, $0x38;
	[tilespmem:$0x3080] =	vst v63  }
0x33: {  	s22 =	simm.s32 @!p1 $0x2480;
	s21 =	sadd.s32 @!p1 $0x380, s9  }
0x34: {  	[hbm4b:s21+s20] =	stream.linear.scatter @!p1 [tilespmem:s22], [sflag:$0x1], $0x200, $0x38;
	[tilespmem:$0x3080] =	vst v63  }
0x35: {  	s21 =	sadd.s32 @!p1 $0x400, s9;
	s22 =	simm.s32 @!p1 $0x2880  }
0x36: {  	[hbm4b:s21+s20] =	stream.linear.scatter @!p1 [tilespmem:s22], [sflag:$0x1], $0x200, $0x38;
	[tilespmem:$0x3080] =	vst v63  }
0x37: {  	s21 =	sadd.s32 @!p1 $0x480, s9;
	s22 =	simm.s32 @!p1 $0x2C80  }
0x38: {  	[hbm4b:s21+s20] =	stream.linear.scatter @!p1 [tilespmem:s22], [sflag:$0x1], $0x200, $0x38;
	[tilespmem:$0x3080] =	vst v63  }
0x39: {  	s20 =	simm.s32 @!p1 $0x1  }
0x3a: {  	s19 =	sadd.s32 $0x1, s19;
	_ =	swait.ge @!p1 [sflag:s20], $0x1400  }
0x3b: {  	p3 =	sne.s32 s19, s11;
	[sflag:s20] =	ssyncset.done @!p1 $0x0  }
0x3c: {  	s21 =	simm.s32 @!p2 $0x880;
	[sflag:s20] =	ssyncadd.s32 @!p1 $0xFFFFEC00;
	s20 =	simm.s32 @!p2 $0x0  }
0x3d: {  	[hbm4b:s10+s20] =	stream.linear.scatter @!p2 [tilespmem:s21], [sflag:$0x1], $0x2800, $0x38;
	[tilespmem:$0x3080] =	vst v63  }
.Ltmp1:
0x3e: {  	_ = 	snop;
	(pc) =	sbr.rel @!p3 .LBB2_18-.Ltmp1, $4  }
0x3f: {  	s20 =	simm.s32 @!p2 $0x1  }
0x40: {  	_ =	swait.ge @!p2 [sflag:s20], $0x2800  }
0x41: {  	[sflag:s20] =	ssyncset.done @!p2 $0x0  }
0x42: {  	[sflag:s20] =	ssyncadd.s32 @!p2 $0xFFFFD800  }
.LBB2_1:
0x43: {  	s20 =	simm.s32 @!p1 $0x0;
	s21 =	simm.s32 @!p1 $0x1  }
0x44: {  	[tilespmem:s20], [sflag:$0x1] =	stream.linear.gather @!p1 [hbm4b:s4+s20], $0x800, $0x38;
	[tilespmem:$0x3080] =	vst v63  }
0x45: {  	_ =	swait.ge @!p1 [sflag:s21], $0x800  }
0x46: {  	[sflag:s21] =	ssyncset.done @!p1 $0x0  }
0x47: {  	s22 =	simm.s32 @!p1 $0x800;
	[sflag:s21] =	ssyncadd.s32 @!p1 $0xFFFFF800  }
0x48: {  	[tilespmem:s22], [sflag:$0x1] =	stream.linear.gather @!p1 [hbm4b:s5+s20], $0x10, $0x38;
	[tilespmem:$0x3080] =	vst v63  }
0x49: {  	_ =	swait.ge @!p1 [sflag:s21], $0x10  }
0x4a: {  	[sflag:s21] =	ssyncset.done @!p1 $0x0  }
0x4b: {  	s20 =	simm.s32 @!p2 $0x0;
	[sflag:s21] =	ssyncadd.s32 @!p1 $0xFFFFFFF0;
	s21 =	simm.s32 @!p2 $0x1  }
0x4c: {  	[tilespmem:s20], [sflag:$0x1] =	stream.linear.gather @!p2 [hbm4b:s6+s20], $0x400, $0x38;
	[tilespmem:$0x3080] =	vst v63  }
0x4d: {  	_ =	swait.ge @!p2 [sflag:s21], $0x400  }
0x4e: {  	[sflag:s21] =	ssyncset.done @!p2 $0x0  }
0x4f: {  	s22 =	simm.s32 @!p2 $0x800;
	[sflag:s21] =	ssyncadd.s32 @!p2 $0xFFFFFC00  }
0x50: {  	[tilespmem:s22], [sflag:$0x1] =	stream.linear.gather @!p2 [hbm4b:s7+s20], $0x8, $0x38;
	[tilespmem:$0x3080] =	vst v63  }
0x51: {  	_ =	swait.ge @!p2 [sflag:s21], $0x8  }
0x52: {  	s31 =	sld [smem:$0x7FD];
	_ =	sdelay $0x2  }
0x53: {  	p3 =	seq.s32 s31, $0x1  }
.Ltmp2:
0x54: {  	_ = 	snop;
	(pc) =	sbr.rel @p3 .LBB2_7-.Ltmp2, $3  }
0x55: {  	_ =	sdelay $0x1  }
0x56: {  	[sflag:s21] =	ssyncset.done @!p2 $0x0  }
0x57: {  	[sflag:s21] =	ssyncadd.s32 @!p2 $0xFFFFFFF8  }
0x58: {  	s20 =	sadd.s32 $0x1, s2  }
0x59: {  	s21 =	smulhi.u32 $0xCCCCCCCD, s2;
	p3 =	sne.s32 s8, s20  }
.Ltmp3:
0x5a: {  	_ = 	snop;
	(pc) =	sbr.rel @!p3 .LBB2_3-.Ltmp3, $4  }
0x5b: {  	_ = 	snop  }
0x5c: {  	s22 =	sshrl.u32 s21, $0x4  }
0x5d: {  	s21 =	sshrl.u32 s21, $0x7;
	s26 =	smul.u32 $0x2800, s22  }
0x5e: {  	p5 =	por $0x0, $0x0;
	s25 =	smul.u32 $0xA000, s21  }
0x5f: {  	s23 =	smulhi.u32 $0xCCCCCCCD, s20;
	s21 =	sshll.u32 s22, $0x7  }
0x60: {  	s31 =	ssub.s32 s2, s26;
	s20 =	sadd.s32 $0x1, s20;
	s24 =	sadd.s32 s21, s2  }
0x61: {  	s22 =	sand.u32 $0x3C00, s31;
	s25 =	sshra.s32 s25, $0x2;
	p3 =	sne.s32 s8, s20  }
.Ltmp4:
0x62: {  	s24 =	sand.u32 $0x40, s24;
	s22 =	sadd.s32 s22, s25;
	(pc) =	sbr.rel @!p3 .LBB2_6-.Ltmp4, $4  }
0x63: {  	s21 =	sand.u32 $0x380, s21;
	s24 =	sor.u32 s24, s22  }
0x64: {  	s22 =	sshrl.u32 s23, $0x4;
	s21 =	sor.u32 s21, s24  }
0x65: {  	p5 =	por $0x1, $0x1;
	s23 =	sshrl.u32 s23, $0x7;
	s26 =	smul.u32 $0x2800, s22;
	[tilespmem:s21+$0x8B0] =	vst v1  }
0x66: {  	s25 =	smul.u32 $0xA000, s23;
	s24 =	sadd.s32 $0x40, s2;
	s23 =	sadd.s32 $0x200, s2;
	[tilespmem:s21+$0x880] =	vst v1  }
.LBB2_5:
0x67: {  	s28 =	smulhi.u32 $0xCCCCCCCD, s20;
	s22 =	sshll.u32 s22, $0x7  }
0x68: {  	s26 =	ssub.s32 s23, s26;
	[tilespmem:s21+$0x890] =	vst v1;
	s20 =	sadd.s32 $0x1, s20;
	s29 =	sadd.s32 s22, s24  }
0x69: {  	s26 =	sand.u32 $0x3C00, s26;
	s25 =	sshra.s32 s25, $0x2;
	[tilespmem:s21+$0x8A0] =	vst v1;
	p3 =	sne.s32 s8, s20  }
.Ltmp5:
0x6a: {  	s21 =	sand.u32 $0x40, s29;
	s25 =	sadd.s32 s26, s25;
	(pc) =	sbr.rel @p3 .LBB2_5-.Ltmp5, $4  }
0x6b: {  	s26 =	sand.u32 $0x380, s22;
	s21 =	sor.u32 s21, s25  }
0x6c: {  	s22 =	sshrl.u32 s28, $0x4;
	s21 =	sor.u32 s26, s21  }
0x6d: {  	s25 =	sshrl.u32 s28, $0x7;
	s26 =	smul.u32 $0x2800, s22;
	[tilespmem:s21+$0x8B0] =	vst v1  }
0x6e: {  	s23 =	sadd.s32 $0x200, s23;
	s24 =	sadd.s32 $0x40, s24;
	s25 =	smul.u32 $0xA000, s25;
	[tilespmem:s21+$0x880] =	vst v1  }
.LBB2_6:
0x6f: {  	s20 =	sshll.u32 s22, $0x7;
	s29 =	ssub.s32 s23, s26  }
0x70: {  	s30 =	sadd.s32 s20, s24;
	s22 =	sand.u32 $0x3C00, s29;
	s31 =	sshra.s32 s25, $0x2  }
0x71: {  	s23 =	sand.u32 $0x40, s30;
	s22 =	sadd.s32 s22, s31  }
0x72: {  	[tilespmem:s21+$0x890] =	vst @p5 v1;
	s20 =	sand.u32 $0x380, s20;
	s22 =	sor.u32 s23, s22  }
0x73: {  	[tilespmem:s21+$0x8A0] =	vst @p5 v1;
	s20 =	sor.u32 s20, s22  }
0x74: {  	[tilespmem:s20+$0x8B0] =	vst v1  }
0x75: {  	[tilespmem:s20+$0x880] =	vst v1  }
0x76: {  	[tilespmem:s20+$0x890] =	vst v1  }
0x77: {  	[tilespmem:s20+$0x8A0] =	vst v1  }
.LBB2_7:
.Ltmp6:
0x78: {  	(pc) =	sbr.rel @p4 .LBB2_17-.Ltmp6, $1  }
0x79: {  	_ =	sdelay $0x3  }
0x7a: {  	p3 =	sne.s32 s3, $0x1  }
.Ltmp7:
0x7b: {  	_ = 	snop;
	(pc) =	sbr.rel @!p3 .LBB2_9-.Ltmp7, $4  }
0x7c: {  	_ = 	snop  }
0x7d: {  	v2 =	vld [tilespmem:$0x800]  }
0x7e: {  	s20 =	simm.s32 $0x0;
	s21 =	simm.s32 $0x1  }
0x7f: {  	s23 =	simm.s32 $0x0;
	p5 =	por $0x0, $0x0;
	p6 =	por $0x0, $0x0  }
0x80: {  	s22 =	simm.s32 $0x0  }
0x81: {  	v3 =	vmov s20;
	p3 =	sne.s32 s3, $0x2;
	s22 =	smov.u32 @p0 s23  }
.Ltmp8:
0x82: {  	v3 =	vperm.xlane v2, v3;
	v4 =	vmov s22;
	(pc) =	sbr.rel @!p3 .LBB2_11-.Ltmp8, $4  }
0x83: {  	v5 =	vshrl.u32 v4, $0x3  }
0x84: {  	v6 =	vshll.u32 v3, $0x4;
	v5 =	vmul.u32 $0x2800, v5;
	v3 =	vshll.u32 v3, $0x7  }
0x85: {  	v7 =	vshll.u32 v4, $0x7;
	v4 =	vor.u32 v0, v6;
	v3 =	vand.u32 $0xFFFFFC00, v3  }
0x86: {  	p5 =	por $0x1, $0x1;
	s23 =	simm.s32 $0x0;
	s22 =	simm.s32 $0x2;
	v7 =	vand.u32 $0x380, v7;
	v4 =	vand.u32 $0x7F, v4;
	v6 =	vadd.s32 v5, v3  }
0x87: {  	v3 =	vmov s21  }
0x88: {  	s21 =	smov.u32 @p0 s23;
	v5 =	vor.u32 v7, v6;
	v6 =	vperm.xlane v2, v3  }
0x89: {  	p3 =	sne.s32 s3, $0x3;
	v7 =	vmov s21  }
.Ltmp9:
0x8a: {  	v3 =	vor.u32 v4, v5;
	v4 =	vshrl.u32 v7, $0x3;
	v5 =	vshll.u32 v6, $0x4;
	(pc) =	sbr.rel @!p3 .LBB2_13-.Ltmp9, $3  }
0x8b: {  	v8 =	vmul.u32 $0x2800, v4;
	v4 =	vshll.u32 v6, $0x7;
	v6 =	vor.u32 v0, v5;
	v5 =	vld [tilespmem:s20+$0x0];
	_ =	sdelay $0x1  }
0x8c: {  	s23 =	simm.s32 $0x0;
	v7 =	vshll.u32 v7, $0x7;
	v9 =	vand.u32 $0xFFFFFC00, v4  }
0x8d: {  	p6 =	por $0x1, $0x1;
	s24 =	simm.s32 $0x0;
	s21 =	simm.s32 $0x3;
	v7 =	vand.u32 $0x380, v7;
	v4 =	vand.u32 $0x7F, v6;
	v6 =	vadd.s32 v8, v9  }
.LBB2_14:
0x8e: {  	v8 =	vmov s22;
	s25 =	smov.u32 s22;
	s22 =	smov.u32 s21;
	s21 =	sadd.s32 $0x1, s21  }
0x8f: {  	v6 =	vor.u32 v7, v6;
	[tilespmem:v3+s18+$0x0] =	vst.idx.add.f32.msk $0xffff, v5;
	s24 =	sadd.s32 $0x80, s24;
	s25 =	smov.u32 @p0 s23;
	p3 =	sne.s32 s3, s21  }
.Ltmp10:
0x90: {  	v7 =	vperm.xlane v2, v8;
	v3 =	vor.u32 v4, v6;
	v8 =	vmov s25;
	v5 =	vld [tilespmem:s24+$0x0];
	(pc) =	sbr.rel @p3 .LBB2_14-.Ltmp10, $4  }
0x91: {  	v4 =	vshrl.u32 v8, $0x3;
	v8 =	vshll.u32 v8, $0x7  }
0x92: {  	v6 =	vshll.u32 v7, $0x4;
	v9 =	vmul.u32 $0x2800, v4;
	v4 =	vshll.u32 v7, $0x7  }
0x93: {  	v6 =	vor.u32 v0, v6;
	v7 =	vand.u32 $0xFFFFFC00, v4  }
0x94: {  	s23 =	sshrl.u32 s22, $0x2;
	v4 =	vand.u32 $0x7F, v6;
	v6 =	vadd.s32 v9, v7;
	v7 =	vand.u32 $0x380, v8  }
.Ltmp11:
0x95: {  	(pc) =	sbr.rel .LBB2_16-.Ltmp11, $2  }
0x96: {  	_ =	sdelay $0x2  }
0x97: {  	s21 =	smov.u32 s22  }
.LBB2_3:
.Ltmp12:
0x98: {  	(pc) =	sbr.rel .LBB2_6-.Ltmp12, $2  }
0x99: {  	_ =	sdelay $0x2  }
0x9a: {  	s23 =	simm.s32 $0x0;
	s24 =	simm.s32 $0x0  }
.LBB2_11:
.Ltmp13:
0x9b: {  	(pc) =	sbr.rel .LBB2_16-.Ltmp13, $2  }
0x9c: {  	_ =	sdelay $0x2  }
0x9d: {  	s24 =	simm.s32 $0x0  }
.LBB2_13:
.Ltmp14:
0x9e: {  	(pc) =	sbr.rel .LBB2_16-.Ltmp14, $2  }
0x9f: {  	_ =	sdelay $0x2  }
0xa0: {  	s21 =	simm.s32 $0x2;
	s24 =	simm.s32 $0x0  }
.LBB2_18:
0xa1: {  	_ =	sfence.sel $0x180000  }
0xa2: {  	[bflag:$0x0] =	sbarrier.arrive $0xFFFF  }
0xa3: {  	p0 =	sne.s32 s1, $0x0;
	_ =	strace $0x90000047  }
0xa4: {  	s0 =	sadd.s32 @!p0 $0x100000, s0;
	[bflag:$0x2] =	sbarrier.arrive $0xFFFF  }
0xa5: {  	[sflag:s0] =	ssyncadd.tile.s32 @!p0 $0x1;
	_ =	shalt  }
.Lfunc_end2:
_tile_overlayer_lowered:
.L_overlay_start_2:
0xa6: {  	(tag) =	ssettag $0x2  }
0xa7: {  	s0 =	rddreg [dreg:$0x0];
	s2 =	stileid.u32  }
0xa8: {  	s1 =	rddreg [dreg:$0x1];
	p0 =	sne.s32 s2, $0x0  }
0xa9: {  	s3 =	rddreg [dreg:$0x2];
	[bflag:$0x3] =	sbarrier.arrive $0xFFFF;
	s2 =	simm.s32 @!p0 $0x1C01  }
0xaa: {  	[timem:s3], [sflag:s2] =	dma.local @!p0 [hbm:s0], s1  }
0xab: {  	s0 =	simm.s32 @!p0 $0x1  }
0xac: {  	_ =	swait.ge @!p0 [sflag:s0], s1  }
0xad: {  	s1 =	ssub.s32 @!p0 $0x0, s1;
	[sflag:s0] =	ssyncset.done @!p0 $0x0  }
0xae: {  	[sflag:s0] =	ssyncadd.s32 @!p0 s1  }
0xaf: {  	[bflag:$0x3] =	sbarrier.arrive $0xFFFF  }
0xb0: {  	_ =	shalt  }

</sc_bundles>
